<compile_context>
chip_gen: v7x
topology: tpu7x:2x2x1
jax: 0.10.2.dev20260603
libtpu: 0.0.44.dev20260713+nightly
codegen_flags: <defaults>
</compile_context>

<pallas_src>
import jax
import jax.numpy as jnp
from jax import lax
from jax.experimental import pallas as pl
from jax.experimental.pallas import tpu as pltpu
from jax.experimental.pallas import tpu_sc as plsc

S, P, O, V = 4, 8192, 2048, 2048
B = S * P
NC, NS = 2, 16
NW = NC * NS
BPW = B // NW
CG = 128
NCH = BPW // CG
NSLOT = 3
NWRD = 128
NBIT = O // NWRD
PB = 512
NBT = B // PB


def _sc_gather_body(words_hbm, seq_hbm, gout_hbm, idx_all, buf, gsem, osem):
    wid = lax.axis_index("s") * NC + lax.axis_index("c")
    base = wid * BPW
    pltpu.sync_copy(seq_hbm.at[pl.ds(base, BPW)], idx_all)

    def start_gather(k):
        b = lax.rem(k, NSLOT)
        pltpu.async_copy(words_hbm.at[idx_all.at[pl.ds(k * CG, CG)]],
                         buf.at[b], gsem.at[b])

    def wait_gather(b):
        pltpu.make_async_copy(words_hbm.at[idx_all.at[pl.ds(0, CG)]],
                              buf.at[b], gsem.at[b]).wait()

    def wait_scatter(b):
        pltpu.make_async_copy(buf.at[b], gout_hbm.at[pl.ds(0, CG), :],
                              osem.at[b]).wait()

    start_gather(0)
    start_gather(1)

    @pl.loop(0, NCH)
    def _chunk(k):
        b = lax.rem(k, NSLOT)

        @pl.when(k + 2 < NCH)
        def _():
            bn = lax.rem(k + 2, NSLOT)

            @pl.when(k >= 1)
            def _():
                wait_scatter(bn)
            start_gather(k + 2)

        wait_gather(b)
        pltpu.async_copy(buf.at[b], gout_hbm.at[pl.ds(base + k * CG, CG), :],
                         osem.at[b])

    for t in range(max(0, NCH - 3), NCH):
        wait_scatter(t % NSLOT)


def _tc_body(words_ref, logits_ref, out_ref):
    w = words_ref[...]
    rep = pltpu.repeat(w, NBIT, axis=1)
    k = lax.broadcasted_iota(jnp.int32, (PB, O), 1) // NWRD
    bit = (rep >> k) & 1
    out_ref[...] = jnp.where(bit != 0, -jnp.inf, logits_ref[...])


@jax.jit
def kernel(logits_SPT, seq_SP, valid_output_mask_TiTo):
    logits = logits_SPT.reshape(B, O).astype(jnp.float32)
    seq = seq_SP.reshape(B).astype(jnp.int32)

    b01 = jnp.isneginf(valid_output_mask_TiTo).astype(jnp.int32)
    weights = (jnp.int32(1) << jnp.arange(NBIT, dtype=jnp.int32))
    words = jnp.sum(b01.reshape(V, NBIT, NWRD) * weights[None, :, None],
                    axis=1)

    sc_gather = pl.kernel(
        _sc_gather_body,
        out_type=jax.ShapeDtypeStruct((B, NWRD), jnp.int32),
        mesh=plsc.VectorSubcoreMesh(
            core_axis_name="c", subcore_axis_name="s",
            num_cores=NC, num_subcores=NS),
        scratch_types=[
            pltpu.VMEM((BPW,), jnp.int32),
            pltpu.VMEM((NSLOT, CG, NWRD), jnp.int32),
            pltpu.SemaphoreType.DMA((NSLOT,)),
            pltpu.SemaphoreType.DMA((NSLOT,)),
        ],
    )
    gathered = sc_gather(words, seq)

    out = pl.pallas_call(
        _tc_body,
        grid=(NBT,),
        in_specs=[
            pl.BlockSpec((PB, NWRD), lambda i: (i, 0)),
            pl.BlockSpec((PB, O), lambda i: (i, 0)),
        ],
        out_specs=pl.BlockSpec((PB, O), lambda i: (i, 0)),
        out_shape=jax.ShapeDtypeStruct((B, O), jnp.float32),
    )(gathered, logits)
    return out.reshape(S, P, O)

# --- scband reference (transcript-rebuilt; emitter-appended) ---
"""Pipeline reference for scband-masked-model-logit-fomatter-84542136254968 (READ-ONLY COPY).

The authoritative reference and input builder live on the scoring server;
editing this copy changes nothing except your own understanding.
"""

import jax, jax.numpy as jnp
import numpy as np

V = 2048          # tokenizer vocab_size (Ti)
O = 2048          # output_dim (To)
MASK_IDX = 2047   # mask token id
SPECIAL = [0, 1, 2, 3, 2047]  # added_tokens_decoder keys (cls/pad/eos/unk/mask)
S, P = 4, 8192


def _build_mask():
    PASS, BLOCK = 0.0, -np.inf
    m = np.full((V, O), BLOCK, dtype=np.float32)
    # every vocab token predicts itself
    idx = np.arange(V)
    m[idx, idx] = PASS
    # mask token cannot predict itself
    m[MASK_IDX, MASK_IDX] = BLOCK
    # mask token predicts any non-special output column
    valid = sorted(set(range(O)) - set(SPECIAL))
    m[MASK_IDX, np.asarray(valid)] = PASS
    return m


def setup_inputs(seed: int = 0) -> dict:
    key = jax.random.key(seed)
    k1, k2 = jax.random.split(key)
    logits_SPT = jax.random.normal(k1, (S, P, O), dtype=jnp.float32)
    seq_SP = jax.random.randint(k2, (S, P), 0, V, dtype=jnp.int64)
    valid_output_mask_TiTo = jnp.asarray(_build_mask())
    return {
        "logits_SPT": logits_SPT,
        "seq_SP": seq_SP,
        "valid_output_mask_TiTo": valid_output_mask_TiTo,
    }


def reference(logits_SPT, seq_SP, valid_output_mask_TiTo):
    # gather per-position constraint rows: (S, P) -> (S, P, To)
    output_mask_SPTo = jnp.take(valid_output_mask_TiTo, seq_SP, axis=0)
    return logits_SPT.astype(jnp.float32) + output_mask_SPTo

if __name__ == "__main__":
    import jax
    _d = setup_inputs()
    print(jax.jit(kernel)(*tuple(_d.values())))

</pallas_src>

<mosaic_0001>
#map = affine_map<(d0, d1) -> (0, 0)>
#map1 = affine_map<(d0, d1) -> (0)>
module attributes {stable_mosaic.version = 14 : i64} {
  func.func @_sc_gather_body(%arg0: i32, %arg1: i32, %arg2: memref<2048x128xi32, #tpu.memory_space<hbm>>, %arg3: memref<32768xi32, #tpu.memory_space<hbm>>, %arg4: memref<32768x128xi32, #tpu.memory_space<hbm>>, %arg5: memref<1024xi32, #tpu.memory_space<vmem>>, %arg6: memref<3x128x128xi32, #tpu.memory_space<vmem>>, %arg7: memref<3x!tpu.dma_semaphore, #tpu.memory_space<semaphore_mem>>, %arg8: memref<3x!tpu.dma_semaphore, #tpu.memory_space<semaphore_mem>>) attributes {dimension_semantics = [#tpu.dimension_semantics<core_parallel>, #tpu.dimension_semantics<subcore_parallel>], iteration_bounds = array<i64: 2, 16>, scalar_prefetch = 0 : i64, scratch_operands = 4 : i64, tpu.core_type = #tpu.core_type<sc_vector_subcore>, window_params = [{transform_indices = #map}, {transform_indices = #map1}, {transform_indices = #map}]} {
    %mul3A = arith.constant 2 : i32
    %mul3A_0 = arith.muli %arg1, %mul3A : i32
    %add3A = arith.addi %mul3A_0, %arg0 : i32
    %mul3A_1 = arith.constant 1024 : i32
    %mul3A_2 = arith.muli %add3A, %mul3A_1 : i32
    "tpu.region"() ({
      %run_scoped3A = tpu.sem_alloc : memref<!tpu.dma_semaphore, #tpu.memory_space<semaphore_mem>>
      %dma_start3A_86 = tpu.memref_slice %arg3[%mul3A_2] : memref<32768xi32, #tpu.memory_space<hbm>> -> memref<1024xi32, #tpu.memory_space<hbm>>
      %dma_start3A_87 = tpu.memref_slice %arg3[%mul3A_2] : memref<32768xi32, #tpu.memory_space<hbm>> -> memref<1024xi32, #tpu.memory_space<hbm>>
      tpu.enqueue_dma source(%dma_start3A_87 : memref<1024xi32, #tpu.memory_space<hbm>>) target(%arg5 : memref<1024xi32, #tpu.memory_space<vmem>>) target_semaphore(%run_scoped3A : memref<!tpu.dma_semaphore, #tpu.memory_space<semaphore_mem>>)
      %dma_wait3A_88 = tpu.memref_slice %arg3[%mul3A_2] : memref<32768xi32, #tpu.memory_space<hbm>> -> memref<1024xi32, #tpu.memory_space<hbm>>
      %dma_wait3A_89 = tpu.memref_slice %arg3[%mul3A_2] : memref<32768xi32, #tpu.memory_space<hbm>> -> memref<1024xi32, #tpu.memory_space<hbm>>
      tpu.wait_dma2 semaphore(%run_scoped3A : memref<!tpu.dma_semaphore, #tpu.memory_space<semaphore_mem>>) src(%dma_wait3A_89 : memref<1024xi32, #tpu.memory_space<hbm>>) dst(%arg5 : memref<1024xi32, #tpu.memory_space<vmem>>)
      tpu.yield
    }) : () -> ()
    %rem3A = arith.constant 0 : i32
    %rem3A_3 = arith.constant 3 : i32
    %rem3A_4 = arith.remsi %rem3A, %rem3A_3 : i32
    %dma_start3A = arith.constant 0 : i32
    %dma_start3A_5 = arith.constant 0 : i32
    %dma_start3A_6 = tpu.memref_slice %arg6[%rem3A_4, %dma_start3A, %dma_start3A_5] : memref<3x128x128xi32, #tpu.memory_space<vmem>> -> memref<1x128x128xi32, #tpu.memory_space<vmem>>
    %dma_start3A_7 = tpu.memref_squeeze %dma_start3A_6 : memref<1x128x128xi32, #tpu.memory_space<vmem>> -> memref<128x128xi32, #tpu.memory_space<vmem>>
    %dma_start3A_8 = arith.constant 0 : i32
    %dma_start3A_9 = tpu.memref_slice %arg5[%dma_start3A_8] : memref<1024xi32, #tpu.memory_space<vmem>> -> memref<128xi32, #tpu.memory_space<vmem>>
    %dma_start3A_10 = arith.constant 0 : i32
    %dma_start3A_11 = arith.constant 0 : i32
    %dma_start3A_12 = tpu.memref_slice %arg2[%dma_start3A_10, %dma_start3A_11] : memref<2048x128xi32, #tpu.memory_space<hbm>> -> memref<2048x128xi32, #tpu.memory_space<hbm>>
    %dma_start3A_13 = tpu.memref_slice %arg7[%rem3A_4] : memref<3x!tpu.dma_semaphore, #tpu.memory_space<semaphore_mem>> -> memref<1x!tpu.dma_semaphore, #tpu.memory_space<semaphore_mem>>
    %dma_start3A_14 = tpu.memref_squeeze %dma_start3A_13 : memref<1x!tpu.dma_semaphore, #tpu.memory_space<semaphore_mem>> -> memref<!tpu.dma_semaphore, #tpu.memory_space<semaphore_mem>>
    tpu.enqueue_indirect_dma source(%dma_start3A_12 : memref<2048x128xi32, #tpu.memory_space<hbm>>) target(%dma_start3A_7 : memref<128x128xi32, #tpu.memory_space<vmem>>) offsets(%dma_start3A_9 : memref<128xi32, #tpu.memory_space<vmem>>) semaphore(%dma_start3A_14 : memref<!tpu.dma_semaphore, #tpu.memory_space<semaphore_mem>>)
    %rem3A_15 = arith.constant 1 : i32
    %rem3A_16 = arith.constant 3 : i32
    %rem3A_17 = arith.remsi %rem3A_15, %rem3A_16 : i32
    %dma_start3A_18 = arith.constant 0 : i32
    %dma_start3A_19 = arith.constant 0 : i32
    %dma_start3A_20 = tpu.memref_slice %arg6[%rem3A_17, %dma_start3A_18, %dma_start3A_19] : memref<3x128x128xi32, #tpu.memory_space<vmem>> -> memref<1x128x128xi32, #tpu.memory_space<vmem>>
    %dma_start3A_21 = tpu.memref_squeeze %dma_start3A_20 : memref<1x128x128xi32, #tpu.memory_space<vmem>> -> memref<128x128xi32, #tpu.memory_space<vmem>>
    %dma_start3A_22 = arith.constant 128 : i32
    %dma_start3A_23 = tpu.memref_slice %arg5[%dma_start3A_22] : memref<1024xi32, #tpu.memory_space<vmem>> -> memref<128xi32, #tpu.memory_space<vmem>>
    %dma_start3A_24 = arith.constant 0 : i32
    %dma_start3A_25 = arith.constant 0 : i32
    %dma_start3A_26 = tpu.memref_slice %arg2[%dma_start3A_24, %dma_start3A_25] : memref<2048x128xi32, #tpu.memory_space<hbm>> -> memref<2048x128xi32, #tpu.memory_space<hbm>>
    %dma_start3A_27 = tpu.memref_slice %arg7[%rem3A_17] : memref<3x!tpu.dma_semaphore, #tpu.memory_space<semaphore_mem>> -> memref<1x!tpu.dma_semaphore, #tpu.memory_space<semaphore_mem>>
    %dma_start3A_28 = tpu.memref_squeeze %dma_start3A_27 : memref<1x!tpu.dma_semaphore, #tpu.memory_space<semaphore_mem>> -> memref<!tpu.dma_semaphore, #tpu.memory_space<semaphore_mem>>
    tpu.enqueue_indirect_dma source(%dma_start3A_26 : memref<2048x128xi32, #tpu.memory_space<hbm>>) target(%dma_start3A_21 : memref<128x128xi32, #tpu.memory_space<vmem>>) offsets(%dma_start3A_23 : memref<128xi32, #tpu.memory_space<vmem>>) semaphore(%dma_start3A_28 : memref<!tpu.dma_semaphore, #tpu.memory_space<semaphore_mem>>)
    %scan3A = arith.constant 0 : i32
    %scan3A_29 = arith.constant 8 : i32
    %scan3A_30 = arith.addi %scan3A, %scan3A_29 : i32
    %scan3A_31 = arith.constant 1 : i32
    scf.for %scan3A_86 = %scan3A to %scan3A_30 step %scan3A_31  : i32 {
      %mul3A_87 = arith.constant 1 : i32
      %mul3A_88 = arith.muli %scan3A_86, %mul3A_87 : i32
      %add3A_89 = arith.constant 0 : i32
      %add3A_90 = arith.addi %add3A_89, %mul3A_88 : i32
      %rem3A_91 = arith.constant 3 : i32
      %rem3A_92 = arith.remsi %add3A_90, %rem3A_91 : i32
      %add3A_93 = arith.constant 2 : i32
      %add3A_94 = arith.addi %add3A_90, %add3A_93 : i32
      %lt3A = arith.constant 8 : i32
      %lt3A_95 = arith.cmpi slt, %add3A_94, %lt3A : i32
      %convert_element_type3A = arith.extui %lt3A_95 : i1 to i32
      %cond3A = arith.constant 0 : i32
      %cond3A_96 = arith.cmpi ne, %convert_element_type3A, %cond3A : i32
      scf.if %cond3A_96 {
        %add3A_125 = arith.constant 2 : i32
        %add3A_126 = arith.addi %add3A_90, %add3A_125 : i32
        %rem3A_127 = arith.constant 3 : i32
        %rem3A_128 = arith.remsi %add3A_126, %rem3A_127 : i32
        %ge3A = arith.constant 1 : i32
        %ge3A_129 = arith.cmpi sge, %add3A_90, %ge3A : i32
        %convert_element_type3A_130 = arith.extui %ge3A_129 : i1 to i32
        %cond3A_131 = arith.constant 0 : i32
        %cond3A_132 = arith.cmpi ne, %convert_element_type3A_130, %cond3A_131 : i32
        scf.if %cond3A_132 {
          %dma_wait3A_149 = arith.constant 0 : i32
          %dma_wait3A_150 = arith.constant 0 : i32
          %dma_wait3A_151 = tpu.memref_slice %arg6[%rem3A_128, %dma_wait3A_149, %dma_wait3A_150] : memref<3x128x128xi32, #tpu.memory_space<vmem>> -> memref<1x128x128xi32, #tpu.memory_space<vmem>>
          %dma_wait3A_152 = tpu.memref_squeeze %dma_wait3A_151 : memref<1x128x128xi32, #tpu.memory_space<vmem>> -> memref<128x128xi32, #tpu.memory_space<vmem>>
          %dma_wait3A_153 = arith.constant 0 : i32
          %dma_wait3A_154 = arith.constant 0 : i32
          %dma_wait3A_155 = tpu.memref_slice %arg4[%dma_wait3A_153, %dma_wait3A_154] : memref<32768x128xi32, #tpu.memory_space<hbm>> -> memref<128x128xi32, #tpu.memory_space<hbm>>
          %dma_wait3A_156 = tpu.memref_slice %arg8[%rem3A_128] : memref<3x!tpu.dma_semaphore, #tpu.memory_space<semaphore_mem>> -> memref<1x!tpu.dma_semaphore, #tpu.memory_space<semaphore_mem>>
          %dma_wait3A_157 = tpu.memref_squeeze %dma_wait3A_156 : memref<1x!tpu.dma_semaphore, #tpu.memory_space<semaphore_mem>> -> memref<!tpu.dma_semaphore, #tpu.memory_space<semaphore_mem>>
          %dma_wait3A_158 = arith.constant 0 : i32
          %dma_wait3A_159 = arith.constant 0 : i32
          %dma_wait3A_160 = tpu.memref_slice %arg4[%dma_wait3A_158, %dma_wait3A_159] : memref<32768x128xi32, #tpu.memory_space<hbm>> -> memref<128x128xi32, #tpu.memory_space<hbm>>
          %dma_wait3A_161 = arith.constant 0 : i32
          %dma_wait3A_162 = arith.constant 0 : i32
          %dma_wait3A_163 = tpu.memref_slice %arg6[%rem3A_128, %dma_wait3A_161, %dma_wait3A_162] : memref<3x128x128xi32, #tpu.memory_space<vmem>> -> memref<1x128x128xi32, #tpu.memory_space<vmem>>
          %dma_wait3A_164 = tpu.memref_squeeze %dma_wait3A_163 : memref<1x128x128xi32, #tpu.memory_space<vmem>> -> memref<128x128xi32, #tpu.memory_space<vmem>>
          tpu.wait_dma2 semaphore(%dma_wait3A_157 : memref<!tpu.dma_semaphore, #tpu.memory_space<semaphore_mem>>) src(%dma_wait3A_164 : memref<128x128xi32, #tpu.memory_space<vmem>>) dst(%dma_wait3A_160 : memref<128x128xi32, #tpu.memory_space<hbm>>)
        } else {
        }
        %add3A_133 = arith.constant 2 : i32
        %add3A_134 = arith.addi %add3A_90, %add3A_133 : i32
        %rem3A_135 = arith.constant 3 : i32
        %rem3A_136 = arith.remsi %add3A_134, %rem3A_135 : i32
        %mul3A_137 = arith.constant 128 : i32
        %mul3A_138 = arith.muli %add3A_134, %mul3A_137 : i32
        %dma_start3A_139 = arith.constant 0 : i32
        %dma_start3A_140 = arith.constant 0 : i32
        %dma_start3A_141 = tpu.memref_slice %arg6[%rem3A_136, %dma_start3A_139, %dma_start3A_140] : memref<3x128x128xi32, #tpu.memory_space<vmem>> -> memref<1x128x128xi32, #tpu.memory_space<vmem>>
        %dma_start3A_142 = tpu.memref_squeeze %dma_start3A_141 : memref<1x128x128xi32, #tpu.memory_space<vmem>> -> memref<128x128xi32, #tpu.memory_space<vmem>>
        %dma_start3A_143 = tpu.memref_slice %arg5[%mul3A_138] : memref<1024xi32, #tpu.memory_space<vmem>> -> memref<128xi32, #tpu.memory_space<vmem>>
        %dma_start3A_144 = arith.constant 0 : i32
        %dma_start3A_145 = arith.constant 0 : i32
        %dma_start3A_146 = tpu.memref_slice %arg2[%dma_start3A_144, %dma_start3A_145] : memref<2048x128xi32, #tpu.memory_space<hbm>> -> memref<2048x128xi32, #tpu.memory_space<hbm>>
        %dma_start3A_147 = tpu.memref_slice %arg7[%rem3A_136] : memref<3x!tpu.dma_semaphore, #tpu.memory_space<semaphore_mem>> -> memref<1x!tpu.dma_semaphore, #tpu.memory_space<semaphore_mem>>
        %dma_start3A_148 = tpu.memref_squeeze %dma_start3A_147 : memref<1x!tpu.dma_semaphore, #tpu.memory_space<semaphore_mem>> -> memref<!tpu.dma_semaphore, #tpu.memory_space<semaphore_mem>>
        tpu.enqueue_indirect_dma source(%dma_start3A_146 : memref<2048x128xi32, #tpu.memory_space<hbm>>) target(%dma_start3A_142 : memref<128x128xi32, #tpu.memory_space<vmem>>) offsets(%dma_start3A_143 : memref<128xi32, #tpu.memory_space<vmem>>) semaphore(%dma_start3A_148 : memref<!tpu.dma_semaphore, #tpu.memory_space<semaphore_mem>>)
      } else {
      }
      %dma_wait3A_97 = arith.constant 0 : i32
      %dma_wait3A_98 = arith.constant 0 : i32
      %dma_wait3A_99 = tpu.memref_slice %arg6[%rem3A_92, %dma_wait3A_97, %dma_wait3A_98] : memref<3x128x128xi32, #tpu.memory_space<vmem>> -> memref<1x128x128xi32, #tpu.memory_space<vmem>>
      %dma_wait3A_100 = tpu.memref_squeeze %dma_wait3A_99 : memref<1x128x128xi32, #tpu.memory_space<vmem>> -> memref<128x128xi32, #tpu.memory_space<vmem>>
      %dma_wait3A_101 = arith.constant 0 : i32
      %dma_wait3A_102 = tpu.memref_slice %arg5[%dma_wait3A_101] : memref<1024xi32, #tpu.memory_space<vmem>> -> memref<128xi32, #tpu.memory_space<vmem>>
      %dma_wait3A_103 = arith.constant 0 : i32
      %dma_wait3A_104 = arith.constant 0 : i32
      %dma_wait3A_105 = tpu.memref_slice %arg2[%dma_wait3A_103, %dma_wait3A_104] : memref<2048x128xi32, #tpu.memory_space<hbm>> -> memref<2048x128xi32, #tpu.memory_space<hbm>>
      %dma_wait3A_106 = tpu.memref_slice %arg7[%rem3A_92] : memref<3x!tpu.dma_semaphore, #tpu.memory_space<semaphore_mem>> -> memref<1x!tpu.dma_semaphore, #tpu.memory_space<semaphore_mem>>
      %dma_wait3A_107 = tpu.memref_squeeze %dma_wait3A_106 : memref<1x!tpu.dma_semaphore, #tpu.memory_space<semaphore_mem>> -> memref<!tpu.dma_semaphore, #tpu.memory_space<semaphore_mem>>
      tpu.wait_indirect_dma semaphore(%dma_wait3A_107 : memref<!tpu.dma_semaphore, #tpu.memory_space<semaphore_mem>>) src(%dma_wait3A_105 : memref<2048x128xi32, #tpu.memory_space<hbm>>) dst(%dma_wait3A_100 : memref<128x128xi32, #tpu.memory_space<vmem>>)
      %mul3A_108 = arith.constant 128 : i32
      %mul3A_109 = arith.muli %add3A_90, %mul3A_108 : i32
      %add3A_110 = arith.addi %mul3A_2, %mul3A_109 : i32
      %dma_start3A_111 = arith.constant 0 : i32
      %dma_start3A_112 = arith.constant 0 : i32
      %dma_start3A_113 = tpu.memref_slice %arg6[%rem3A_92, %dma_start3A_111, %dma_start3A_112] : memref<3x128x128xi32, #tpu.memory_space<vmem>> -> memref<1x128x128xi32, #tpu.memory_space<vmem>>
      %dma_start3A_114 = tpu.memref_squeeze %dma_start3A_113 : memref<1x128x128xi32, #tpu.memory_space<vmem>> -> memref<128x128xi32, #tpu.memory_space<vmem>>
      %dma_start3A_115 = arith.constant 0 : i32
      %dma_start3A_116 = tpu.memref_slice %arg4[%add3A_110, %dma_start3A_115] : memref<32768x128xi32, #tpu.memory_space<hbm>> -> memref<128x128xi32, #tpu.memory_space<hbm>>
      %dma_start3A_117 = tpu.memref_slice %arg8[%rem3A_92] : memref<3x!tpu.dma_semaphore, #tpu.memory_space<semaphore_mem>> -> memref<1x!tpu.dma_semaphore, #tpu.memory_space<semaphore_mem>>
      %dma_start3A_118 = tpu.memref_squeeze %dma_start3A_117 : memref<1x!tpu.dma_semaphore, #tpu.memory_space<semaphore_mem>> -> memref<!tpu.dma_semaphore, #tpu.memory_space<semaphore_mem>>
      %dma_start3A_119 = arith.constant 0 : i32
      %dma_start3A_120 = tpu.memref_slice %arg4[%add3A_110, %dma_start3A_119] : memref<32768x128xi32, #tpu.memory_space<hbm>> -> memref<128x128xi32, #tpu.memory_space<hbm>>
      %dma_start3A_121 = arith.constant 0 : i32
      %dma_start3A_122 = arith.constant 0 : i32
      %dma_start3A_123 = tpu.memref_slice %arg6[%rem3A_92, %dma_start3A_121, %dma_start3A_122] : memref<3x128x128xi32, #tpu.memory_space<vmem>> -> memref<1x128x128xi32, #tpu.memory_space<vmem>>
      %dma_start3A_124 = tpu.memref_squeeze %dma_start3A_123 : memref<1x128x128xi32, #tpu.memory_space<vmem>> -> memref<128x128xi32, #tpu.memory_space<vmem>>
      tpu.enqueue_dma source(%dma_start3A_124 : memref<128x128xi32, #tpu.memory_space<vmem>>) target(%dma_start3A_120 : memref<128x128xi32, #tpu.memory_space<hbm>>) target_semaphore(%dma_start3A_118 : memref<!tpu.dma_semaphore, #tpu.memory_space<semaphore_mem>>)
    }
    %scan3A_32 = arith.constant 8 : i32
    %dma_wait3A = arith.constant 2 : i32
    %dma_wait3A_33 = arith.constant 2 : i32
    %dma_wait3A_34 = arith.constant 0 : i32
    %dma_wait3A_35 = arith.constant 0 : i32
    %dma_wait3A_36 = tpu.memref_slice %arg6[%dma_wait3A, %dma_wait3A_34, %dma_wait3A_35] : memref<3x128x128xi32, #tpu.memory_space<vmem>> -> memref<1x128x128xi32, #tpu.memory_space<vmem>>
    %dma_wait3A_37 = tpu.memref_squeeze %dma_wait3A_36 : memref<1x128x128xi32, #tpu.memory_space<vmem>> -> memref<128x128xi32, #tpu.memory_space<vmem>>
    %dma_wait3A_38 = arith.constant 0 : i32
    %dma_wait3A_39 = arith.constant 0 : i32
    %dma_wait3A_40 = tpu.memref_slice %arg4[%dma_wait3A_38, %dma_wait3A_39] : memref<32768x128xi32, #tpu.memory_space<hbm>> -> memref<128x128xi32, #tpu.memory_space<hbm>>
    %dma_wait3A_41 = tpu.memref_slice %arg8[%dma_wait3A_33] : memref<3x!tpu.dma_semaphore, #tpu.memory_space<semaphore_mem>> -> memref<1x!tpu.dma_semaphore, #tpu.memory_space<semaphore_mem>>
    %dma_wait3A_42 = tpu.memref_squeeze %dma_wait3A_41 : memref<1x!tpu.dma_semaphore, #tpu.memory_space<semaphore_mem>> -> memref<!tpu.dma_semaphore, #tpu.memory_space<semaphore_mem>>
    %dma_wait3A_43 = arith.constant 0 : i32
    %dma_wait3A_44 = arith.constant 0 : i32
    %dma_wait3A_45 = tpu.memref_slice %arg4[%dma_wait3A_43, %dma_wait3A_44] : memref<32768x128xi32, #tpu.memory_space<hbm>> -> memref<128x128xi32, #tpu.memory_space<hbm>>
    %dma_wait3A_46 = arith.constant 0 : i32
    %dma_wait3A_47 = arith.constant 0 : i32
    %dma_wait3A_48 = tpu.memref_slice %arg6[%dma_wait3A, %dma_wait3A_46, %dma_wait3A_47] : memref<3x128x128xi32, #tpu.memory_space<vmem>> -> memref<1x128x128xi32, #tpu.memory_space<vmem>>
    %dma_wait3A_49 = tpu.memref_squeeze %dma_wait3A_48 : memref<1x128x128xi32, #tpu.memory_space<vmem>> -> memref<128x128xi32, #tpu.memory_space<vmem>>
    tpu.wait_dma2 semaphore(%dma_wait3A_42 : memref<!tpu.dma_semaphore, #tpu.memory_space<semaphore_mem>>) src(%dma_wait3A_49 : memref<128x128xi32, #tpu.memory_space<vmem>>) dst(%dma_wait3A_45 : memref<128x128xi32, #tpu.memory_space<hbm>>)
    %dma_wait3A_50 = arith.constant 0 : i32
    %dma_wait3A_51 = arith.constant 0 : i32
    %dma_wait3A_52 = arith.constant 0 : i32
    %dma_wait3A_53 = arith.constant 0 : i32
    %dma_wait3A_54 = tpu.memref_slice %arg6[%dma_wait3A_50, %dma_wait3A_52, %dma_wait3A_53] : memref<3x128x128xi32, #tpu.memory_space<vmem>> -> memref<1x128x128xi32, #tpu.memory_space<vmem>>
    %dma_wait3A_55 = tpu.memref_squeeze %dma_wait3A_54 : memref<1x128x128xi32, #tpu.memory_space<vmem>> -> memref<128x128xi32, #tpu.memory_space<vmem>>
    %dma_wait3A_56 = arith.constant 0 : i32
    %dma_wait3A_57 = arith.constant 0 : i32
    %dma_wait3A_58 = tpu.memref_slice %arg4[%dma_wait3A_56, %dma_wait3A_57] : memref<32768x128xi32, #tpu.memory_space<hbm>> -> memref<128x128xi32, #tpu.memory_space<hbm>>
    %dma_wait3A_59 = tpu.memref_slice %arg8[%dma_wait3A_51] : memref<3x!tpu.dma_semaphore, #tpu.memory_space<semaphore_mem>> -> memref<1x!tpu.dma_semaphore, #tpu.memory_space<semaphore_mem>>
    %dma_wait3A_60 = tpu.memref_squeeze %dma_wait3A_59 : memref<1x!tpu.dma_semaphore, #tpu.memory_space<semaphore_mem>> -> memref<!tpu.dma_semaphore, #tpu.memory_space<semaphore_mem>>
    %dma_wait3A_61 = arith.constant 0 : i32
    %dma_wait3A_62 = arith.constant 0 : i32
    %dma_wait3A_63 = tpu.memref_slice %arg4[%dma_wait3A_61, %dma_wait3A_62] : memref<32768x128xi32, #tpu.memory_space<hbm>> -> memref<128x128xi32, #tpu.memory_space<hbm>>
    %dma_wait3A_64 = arith.constant 0 : i32
    %dma_wait3A_65 = arith.constant 0 : i32
    %dma_wait3A_66 = tpu.memref_slice %arg6[%dma_wait3A_50, %dma_wait3A_64, %dma_wait3A_65] : memref<3x128x128xi32, #tpu.memory_space<vmem>> -> memref<1x128x128xi32, #tpu.memory_space<vmem>>
    %dma_wait3A_67 = tpu.memref_squeeze %dma_wait3A_66 : memref<1x128x128xi32, #tpu.memory_space<vmem>> -> memref<128x128xi32, #tpu.memory_space<vmem>>
    tpu.wait_dma2 semaphore(%dma_wait3A_60 : memref<!tpu.dma_semaphore, #tpu.memory_space<semaphore_mem>>) src(%dma_wait3A_67 : memref<128x128xi32, #tpu.memory_space<vmem>>) dst(%dma_wait3A_63 : memref<128x128xi32, #tpu.memory_space<hbm>>)
    %dma_wait3A_68 = arith.constant 1 : i32
    %dma_wait3A_69 = arith.constant 1 : i32
    %dma_wait3A_70 = arith.constant 0 : i32
    %dma_wait3A_71 = arith.constant 0 : i32
    %dma_wait3A_72 = tpu.memref_slice %arg6[%dma_wait3A_68, %dma_wait3A_70, %dma_wait3A_71] : memref<3x128x128xi32, #tpu.memory_space<vmem>> -> memref<1x128x128xi32, #tpu.memory_space<vmem>>
    %dma_wait3A_73 = tpu.memref_squeeze %dma_wait3A_72 : memref<1x128x128xi32, #tpu.memory_space<vmem>> -> memref<128x128xi32, #tpu.memory_space<vmem>>
    %dma_wait3A_74 = arith.constant 0 : i32
    %dma_wait3A_75 = arith.constant 0 : i32
    %dma_wait3A_76 = tpu.memref_slice %arg4[%dma_wait3A_74, %dma_wait3A_75] : memref<32768x128xi32, #tpu.memory_space<hbm>> -> memref<128x128xi32, #tpu.memory_space<hbm>>
    %dma_wait3A_77 = tpu.memref_slice %arg8[%dma_wait3A_69] : memref<3x!tpu.dma_semaphore, #tpu.memory_space<semaphore_mem>> -> memref<1x!tpu.dma_semaphore, #tpu.memory_space<semaphore_mem>>
    %dma_wait3A_78 = tpu.memref_squeeze %dma_wait3A_77 : memref<1x!tpu.dma_semaphore, #tpu.memory_space<semaphore_mem>> -> memref<!tpu.dma_semaphore, #tpu.memory_space<semaphore_mem>>
    %dma_wait3A_79 = arith.constant 0 : i32
    %dma_wait3A_80 = arith.constant 0 : i32
    %dma_wait3A_81 = tpu.memref_slice %arg4[%dma_wait3A_79, %dma_wait3A_80] : memref<32768x128xi32, #tpu.memory_space<hbm>> -> memref<128x128xi32, #tpu.memory_space<hbm>>
    %dma_wait3A_82 = arith.constant 0 : i32
    %dma_wait3A_83 = arith.constant 0 : i32
    %dma_wait3A_84 = tpu.memref_slice %arg6[%dma_wait3A_68, %dma_wait3A_82, %dma_wait3A_83] : memref<3x128x128xi32, #tpu.memory_space<vmem>> -> memref<1x128x128xi32, #tpu.memory_space<vmem>>
    %dma_wait3A_85 = tpu.memref_squeeze %dma_wait3A_84 : memref<1x128x128xi32, #tpu.memory_space<vmem>> -> memref<128x128xi32, #tpu.memory_space<vmem>>
    tpu.wait_dma2 semaphore(%dma_wait3A_78 : memref<!tpu.dma_semaphore, #tpu.memory_space<semaphore_mem>>) src(%dma_wait3A_85 : memref<128x128xi32, #tpu.memory_space<vmem>>) dst(%dma_wait3A_81 : memref<128x128xi32, #tpu.memory_space<hbm>>)
    return
  }
}

module attributes {stable_mosaic.version = 14 : i64} {
  func.func @_tc_body(%arg0: i32, %arg1: memref<512x128xi32, #tpu.memory_space<vmem>>, %arg2: memref<512x2048xf32, #tpu.memory_space<vmem>>, %arg3: memref<512x2048xf32, #tpu.memory_space<vmem>>) attributes {dimension_semantics = [#tpu.dimension_semantics<arbitrary>], iteration_bounds = array<i64: 64>, scalar_prefetch = 0 : i64, scratch_operands = 0 : i64, tpu.core_type = #tpu.core_type<tc>, window_params = [{transform_indices = @transform_0, window_bounds = array<i64: 512, 128>}, {transform_indices = @transform_1, window_bounds = array<i64: 512, 2048>}, {transform_indices = @transform_2, window_bounds = array<i64: 512, 2048>}]} {
    %get3A = arith.constant 0 : index
    %get3A_0 = arith.constant 0 : index
    %get3A_1 = vector.load %arg1[%get3A, %get3A_0] : memref<512x128xi32, #tpu.memory_space<vmem>>, vector<512x128xi32>
    %tile3A = tpu.concatenate %get3A_1, %get3A_1, %get3A_1, %get3A_1, %get3A_1, %get3A_1, %get3A_1, %get3A_1, %get3A_1, %get3A_1, %get3A_1, %get3A_1, %get3A_1, %get3A_1, %get3A_1, %get3A_1 in 1 : vector<512x128xi32>, vector<512x128xi32>, vector<512x128xi32>, vector<512x128xi32>, vector<512x128xi32>, vector<512x128xi32>, vector<512x128xi32>, vector<512x128xi32>, vector<512x128xi32>, vector<512x128xi32>, vector<512x128xi32>, vector<512x128xi32>, vector<512x128xi32>, vector<512x128xi32>, vector<512x128xi32>, vector<512x128xi32> -> vector<512x2048xi32>
    %iota3A = tpu.iota {dimensions = array<i32: 1>} : vector<512x2048xi32>
    %jit3A = arith.constant 128 : i32
    %div3A = vector.broadcast %jit3A : i32 to vector<512x2048xi32>
    %div3A_2 = arith.divsi %iota3A, %div3A : vector<512x2048xi32>
    %sign3A = arith.constant 0 : i32
    %sign3A_3 = vector.broadcast %sign3A : i32 to vector<512x2048xi32>
    %sign3A_4 = arith.cmpi sgt, %iota3A, %sign3A_3 : vector<512x2048xi32>
    %sign3A_5 = arith.extui %sign3A_4 : vector<512x2048xi1> to vector<512x2048xi32>
    %sign3A_6 = arith.constant 0 : i32
    %sign3A_7 = vector.broadcast %sign3A_6 : i32 to vector<512x2048xi32>
    %sign3A_8 = arith.cmpi slt, %iota3A, %sign3A_7 : vector<512x2048xi32>
    %sign3A_9 = arith.extui %sign3A_8 : vector<512x2048xi1> to vector<512x2048xi32>
    %sign3A_10 = arith.subi %sign3A_5, %sign3A_9 : vector<512x2048xi32>
    %sign3A_11 = arith.constant 0 : i32
    %sign3A_12 = arith.cmpi sgt, %jit3A, %sign3A_11 : i32
    %sign3A_13 = arith.extui %sign3A_12 : i1 to i32
    %sign3A_14 = arith.constant 0 : i32
    %sign3A_15 = arith.cmpi slt, %jit3A, %sign3A_14 : i32
    %sign3A_16 = arith.extui %sign3A_15 : i1 to i32
    %sign3A_17 = arith.subi %sign3A_13, %sign3A_16 : i32
    %ne3A = vector.broadcast %sign3A_17 : i32 to vector<512x2048xi32>
    %ne3A_18 = arith.cmpi ne, %sign3A_10, %ne3A : vector<512x2048xi32>
    %rem3A = vector.broadcast %jit3A : i32 to vector<512x2048xi32>
    %rem3A_19 = arith.remsi %iota3A, %rem3A : vector<512x2048xi32>
    %ne3A_20 = arith.constant 0 : i32
    %ne3A_21 = vector.broadcast %ne3A_20 : i32 to vector<512x2048xi32>
    %ne3A_22 = arith.cmpi ne, %rem3A_19, %ne3A_21 : vector<512x2048xi32>
    %and3A = arith.andi %ne3A_18, %ne3A_22 : vector<512x2048xi1>
    %sub3A = arith.constant 1 : i32
    %sub3A_23 = vector.broadcast %sub3A : i32 to vector<512x2048xi32>
    %sub3A_24 = arith.subi %div3A_2, %sub3A_23 : vector<512x2048xi32>
    %select_n3A = arith.select %and3A, %sub3A_24, %div3A_2 : vector<512x2048xi1>, vector<512x2048xi32>
    %shift_right_arithmetic3A = arith.shrsi %tile3A, %select_n3A : vector<512x2048xi32>
    %and3A_25 = arith.constant 1 : i32
    %and3A_26 = vector.broadcast %and3A_25 : i32 to vector<512x2048xi32>
    %and3A_27 = arith.andi %shift_right_arithmetic3A, %and3A_26 : vector<512x2048xi32>
    %ne3A_28 = arith.constant 0 : i32
    %ne3A_29 = vector.broadcast %ne3A_28 : i32 to vector<512x2048xi32>
    %ne3A_30 = arith.cmpi ne, %and3A_27, %ne3A_29 : vector<512x2048xi32>
    %get3A_31 = arith.constant 0 : index
    %get3A_32 = arith.constant 0 : index
    %get3A_33 = vector.load %arg2[%get3A_31, %get3A_32] : memref<512x2048xf32, #tpu.memory_space<vmem>>, vector<512x2048xf32>
    %jit3A_34 = arith.constant 0xFF800000 : f32
    %broadcast_in_dim3A = vector.broadcast %jit3A_34 : f32 to vector<512x2048xf32>
    %select_n3A_35 = arith.select %ne3A_30, %broadcast_in_dim3A, %get3A_33 : vector<512x2048xi1>, vector<512x2048xf32>
    %swap3A = arith.constant 0 : index
    %swap3A_36 = arith.constant 0 : index
    %swap3A_37 = vector.load %arg3[%swap3A, %swap3A_36] : memref<512x2048xf32, #tpu.memory_space<vmem>>, vector<512x2048xf32>
    tpu.vector_store %arg3[%swap3A, %swap3A_36], %select_n3A_35 {strides = array<i32>} : memref<512x2048xf32, #tpu.memory_space<vmem>>, vector<512x2048xf32>,
    return
  }
  func.func @transform_0(%arg0: i32) -> (i32, i32) {
    %c0_i32 = arith.constant 0 : i32
    %c0_i32_0 = arith.constant 0 : i32
    return %arg0, %c0_i32 : i32, i32
  }
  func.func @transform_1(%arg0: i32) -> (i32, i32) {
    %c0_i32 = arith.constant 0 : i32
    %c0_i32_0 = arith.constant 0 : i32
    return %arg0, %c0_i32 : i32, i32
  }
  func.func @transform_2(%arg0: i32) -> (i32, i32) {
    %c0_i32 = arith.constant 0 : i32
    %c0_i32_0 = arith.constant 0 : i32
    return %arg0, %c0_i32 : i32, i32
  }
}

</mosaic_0001>

<sc_bundles>
// kernel: kernel.4.cloned.1.call-start
scs
__scs_entry_jumppad:
0x0: {  	(pc) =	sbr.rel $0x88, $3  }
0x1: {  	(tag) =	ssettag $0x0;
	lr =	simm.s32 $0x1  }
0x2: {  	[smem:$0x3F9E] =	sst lr;
	_ =	strace $0xD0000000  }
0x3: {  	_ = 	snop  }
0x4: {  	_ = 	snop  }
0x5: {  	_ = 	snop  }
0x6: {  	_ = 	snop  }
0x7: {  	_ = 	snop  }
__scs_overlays_trampoline_lowered:
0x8: {  	[smem:$0x3FAD] =	sst s0  }
0x9: {  	[smem:$0x3FAE] =	sst s1  }
0xa: {  	[smem:$0x3FAF] =	sst s2  }
0xb: {  	[smem:$0x3FB0] =	sst s3  }
0xc: {  	[smem:$0x3FB1] =	sst s4  }
0xd: {  	[smem:$0x3FB2] =	sst s5  }
0xe: {  	[smem:$0x3FB3] =	sst s6  }
0xf: {  	[smem:$0x3FB4] =	sst s7  }
0x10: {  	[smem:$0x3FB5] =	sst s8  }
0x11: {  	[smem:$0x3FB6] =	sst s9;
	s0 =	simm.s32 @!p0 $0x0  }
0x12: {  	s1 =	sld [smem:$0x3F9C];
	s0 =	simm.s32 @p0 $0x1  }
0x13: {  	[smem:$0x3FB7] =	sst s0;
	s0 =	simm.s32 @!p1 $0x0  }
0x14: {  	s2 =	sld [smem:$0x3F9B];
	s0 =	simm.s32 @p1 $0x1  }
0x15: {  	[smem:$0x3FB8] =	sst s0;
	s0 =	simm.s32 @!p2 $0x0  }
0x16: {  	s3 =	sld [smem:$0x3FDB];
	s0 =	simm.s32 @p2 $0x1  }
0x17: {  	s4 =	simm.s32 $0x1BF5;
	[smem:$0x3FBA] =	sst s0  }
0x18: {  	s0 =	sld [smem:$0x3F9D];
	_ =	swait.ge [sflag:s4], $0x0  }
0x19: {  	s7 =	sld [smem:$0x3F9E]  }
0x1a: {  	s8 =	sadd.s32 $0xFFFFE003, lr  }
0x1b: {  	s9 =	sadd.s32 $0xFFFFFEF7, lr;
	s5 =	simm.s32 $0xFFFFFFFF;
	p2 =	slt.u32 s8, $0xFFFFF086  }
0x1c: {  	p1 =	slt.u32 s9, $0xF7A;
	s5 =	simm.s32 @!p2 $0x0  }
0x1d: {  	s5 =	simm.s32 @p1 $0x1;
	p0 =	seq.s32 s7, s2  }
0x1e: {  	s7 =	smul.u32 @!p0 $0xF7A, s2;
	p2 =	seq.s32 @!p0 s5, $0x0  }
0x1f: {  	s9 =	smul.u32 $0xF7A, s1;
	s8 =	simm.s32 @!p0 $0x1BF5;
	p2 =	por !p2, p0  }
0x20: {  	[sflag:s8] =	ssyncset.s32 @!p0 $0xFFFFF086;
	s6 =	sadd.s32 @!p0 s3, s7;
	s7 =	simm.s32 @!p0 $0x108  }
0x21: {  	s3 =	sadd.s32 s3, s9;
	s6 =	sadd.s32 @!p0 $0x88, s6;
	s7 =	simm.s32 @p2 $0x1082  }
0x22: {  	[simem:s7], [sflag:s8] =	dma.local @!p0 [hbm:s6], $0xF7A  }
0x23: {  	s9 =	sor.u32 $0xD0000000, s2;
	s6 =	simm.s32 $0x108;
	_ =	swait.ge @!p0 [sflag:s8], $0x0  }
0x24: {  	s3 =	sadd.s32 $0x88, s3;
	s6 =	simm.s32 @!p1 $0x1082;
	[sflag:s4] =	ssyncset.s32 $0xFFFFF086  }
0x25: {  	[simem:s6], [sflag:s4] =	dma.local [hbm:s3], $0xF7A  }
0x26: {  	[smem:$0x3F9E] =	sst s1;
	(tag) =	ssettag s2;
	_ =	strace s9  }
0x27: {  	s1 =	sld [smem:$0x3FAE]  }
0x28: {  	s2 =	sld [smem:$0x3FAF]  }
0x29: {  	s4 =	sld [smem:$0x3FB1]  }
0x2a: {  	p0 =	seq.s32 s5, $0x0;
	s5 =	sld [smem:$0x3FB2]  }
0x2b: {  	s6 =	sld [smem:$0x3FB3]  }
0x2c: {  	s7 =	sld [smem:$0x3FB4]  }
0x2d: {  	s3 =	simm.s32 $0x108;
	s8 =	sld [smem:$0x3FB5]  }
0x2e: {  	s3 =	simm.s32 @!p0 $0x1082;
	s9 =	sld [smem:$0x3FB6]  }
0x2f: {  	lr =	sadd.s32 s0, s3;
	s0 =	sld [smem:$0x3FAD]  }
0x30: {  	s3 =	sld [smem:$0x3FB0]  }
0x31: {  	[smem:$0x3FB9] =	sst s10  }
0x32: {  	s10 =	sld [smem:$0x3FB7];
	_ =	sdelay $0x3  }
0x33: {  	p0 =	seq.s32 s10, $0x1;
	s10 =	sld [smem:$0x3FB9];
	_ =	sdelay $0x3  }
0x34: {  	[smem:$0x3FB9] =	sst s10  }
0x35: {  	s10 =	sld [smem:$0x3FB8];
	_ =	sdelay $0x3  }
0x36: {  	p1 =	seq.s32 s10, $0x1;
	s10 =	sld [smem:$0x3FB9];
	_ =	sdelay $0x3  }
0x37: {  	[smem:$0x3FB9] =	sst s10  }
0x38: {  	s10 =	sld [smem:$0x3FBA]  }
0x39: {  	_ = 	snop;
	(pc) =	sbr.ind lr, $3  }
0x3a: {  	_ = 	snop  }
0x3b: {  	_ = 	snop  }
0x3c: {  	p2 =	seq.s32 s10, $0x1;
	s10 =	sld [smem:$0x3FB9]  }
0x3d: {  	_ =	shalt  }
0x3e: {  	_ =	shalt  }
0x3f: {  	_ =	shalt  }
0x40: {  	_ =	shalt  }
0x41: {  	_ =	shalt  }
0x42: {  	_ =	shalt  }
0x43: {  	_ =	shalt  }
0x44: {  	_ =	shalt  }
0x45: {  	_ =	shalt  }
0x46: {  	_ =	shalt  }
0x47: {  	_ =	shalt  }
0x48: {  	_ =	shalt  }
0x49: {  	_ =	shalt  }
0x4a: {  	_ =	shalt  }
0x4b: {  	_ =	shalt  }
0x4c: {  	_ =	shalt  }
0x4d: {  	_ =	shalt  }
0x4e: {  	_ =	shalt  }
0x4f: {  	_ =	shalt  }
0x50: {  	_ =	shalt  }
0x51: {  	_ =	shalt  }
0x52: {  	_ =	shalt  }
0x53: {  	_ =	shalt  }
0x54: {  	_ =	shalt  }
0x55: {  	_ =	shalt  }
0x56: {  	_ =	shalt  }
0x57: {  	_ =	shalt  }
0x58: {  	_ =	shalt  }
0x59: {  	_ =	shalt  }
0x5a: {  	_ =	shalt  }
0x5b: {  	_ =	shalt  }
0x5c: {  	_ =	shalt  }
0x5d: {  	_ =	shalt  }
0x5e: {  	_ =	shalt  }
0x5f: {  	_ =	shalt  }
0x60: {  	_ =	shalt  }
0x61: {  	_ =	shalt  }
0x62: {  	_ =	shalt  }
0x63: {  	_ =	shalt  }
0x64: {  	_ =	shalt  }
0x65: {  	_ =	shalt  }
0x66: {  	_ =	shalt  }
0x67: {  	_ =	shalt  }
0x68: {  	_ =	shalt  }
0x69: {  	_ =	shalt  }
0x6a: {  	_ =	shalt  }
0x6b: {  	_ =	shalt  }
0x6c: {  	_ =	shalt  }
0x6d: {  	_ =	shalt  }
0x6e: {  	_ =	shalt  }
0x6f: {  	_ =	shalt  }
0x70: {  	_ =	shalt  }
0x71: {  	_ =	shalt  }
0x72: {  	_ =	shalt  }
0x73: {  	_ =	shalt  }
0x74: {  	_ =	shalt  }
0x75: {  	_ =	shalt  }
0x76: {  	_ =	shalt  }
0x77: {  	_ =	shalt  }
0x78: {  	_ =	shalt  }
0x79: {  	_ =	shalt  }
0x7a: {  	_ =	shalt  }
0x7b: {  	_ =	shalt  }
0x7c: {  	_ =	shalt  }
0x7d: {  	_ =	shalt  }
0x7e: {  	_ =	shalt  }
0x7f: {  	_ =	shalt  }
0x80: {  	_ =	shalt  }
0x81: {  	_ =	shalt  }
0x82: {  	_ =	shalt  }
0x83: {  	_ =	shalt  }
0x84: {  	_ =	shalt  }
0x85: {  	_ =	shalt  }
0x86: {  	_ =	shalt  }
0x87: {  	_ =	shalt  }
.Lfunc_end0:
.L_simem_size_0:
called_computation_lowered:
.L_overlay_start_0:
0x88: {  	s2 =	sld [smem:$0x3FD9]  }
0x89: {  	s3 =	sld [smem:$0x3FFE];
	_ =	sdelay $0x1  }
0x8a: {  	s1 =	srdreg.scid  }
0x8b: {  	s0 =	sand.u32 $0x1, s1  }
0x8c: {  	s17 =	sshll.u32 s0, $0xA;
	s2 =	sadd.s32 s3, s2  }
0x8d: {  	s2 =	sadd.s32 s2, s17  }
0x8e: {  	[smem:$0x3FC5] =	sst s2  }
0x8f: {  	_ = 	snop  }
0x90: {  	s2 =	sld [smem:$0x3FD0];
	(tm) =	ssettm $0x1  }
0x91: {  	s18 =	sld [smem:$0x3FFB];
	_ =	sdelay $0x3  }
0x92: {  	_ =	strace s18  }
0x93: {  	s3 =	sld [smem:$0x3FFC];
	_ =	sdelay $0x3  }
0x94: {  	_ =	strace s3  }
0x95: {  	s3 =	sld [smem:$0x3FFD];
	_ =	sdelay $0x3  }
0x96: {  	_ =	strace s3  }
0x97: {  	_ =	strace $0x8FFFFFFF  }
0x98: {  	s19 =	sld [smem:$0x3FDB];
	_ =	sdelay $0x1  }
0x99: {  	s4 =	simm.s32 $_scs_section_size  }
0x9a: {  	s5 =	simm.s32 $_size__tile_overlayer_lowered;
	s6 =	simm.s32 $_tile_overlayer_lowered  }
0x9b: {  	s22 =	simm.s32 $0x1BFF;
	s21 =	sshll.u32 s6, $0x1;
	s3 =	sadd.s32 s4, s19  }
0x9c: {  	s7 =	simm.s32 $0x0;
	s20 =	sshll.u32 s5, $0x1;
	s5 =	sadd.s32 s21, s3  }
0x9d: {  	[timem:s7], [sflag:s22] =	dma.local [hbm:s5], s20  }
0x9e: {  	_ =	swait.ge [sflag:s22], s20  }
0x9f: {  	s4 =	ssub.s32 $0x0, s20;
	[sflag:s22] =	ssyncset.done $0x0  }
0xa0: {  	[sflag:s22] =	ssyncadd.s32 s4;
	_ =	sdelay $0x1  }
0xa1: {  	s23 =	simm.s32 $0x1B8B  }
0xa2: {  	_ =	swait.ge [sflag:s23], $0x1  }
0xa3: {  	[sflag:s23] =	ssyncset.done $0x0  }
0xa4: {  	s25 =	simm.s32 $0x1B8E;
	s24 =	sld [smem:$0x3FFE];
	[sflag:s23] =	ssyncadd.s32 $0xFFFFFFFF  }
0xa5: {  	s26 =	simm.s32 $execute0_lowered;
	[smem:$0x3FD2] =	sst s25  }
0xa6: {  	s5 =	sshll.u32 s26, $0x1;
	_ =	strace $0x80000046;
	[dreg:$0x1] =	wrdreg $0xFFFFFFFF  }
0xa7: {  	s28 =	simm.s32 $_size_execute0_lowered;
	s3 =	sadd.s32 s3, s5;
	[dreg:$0x0] =	wrdreg $0x0  }
0xa8: {  	s5 =	sshll.u32 s28, $0x1;
	[dreg:$0x2] =	wrdreg s3  }
0xa9: {  	[dreg:$0x3] =	wrdreg s5  }
0xaa: {  	[dreg:$0x4] =	wrdreg $0xC0  }
0xab: {  	_ =	task [dreg:s7], $0x5FFFF  }
0xac: {  	[dreg:$0x1] =	wrdreg $0xFFFFFFFF  }
0xad: {  	[dreg:$0x0] =	wrdreg $0x60  }
0xae: {  	[dreg:$0x2] =	wrdreg s24  }
0xaf: {  	[dreg:$0x3] =	wrdreg s2  }
0xb0: {  	[dreg:$0x4] =	wrdreg $0x9  }
0xb1: {  	_ =	task.clear_ibuf [dreg:s7], $0x5FFFF;
	_ =	strace $0x90000046  }
0xb2: {  	s29 =	simm.s32 $0x9;
	_ =	strace $0x80000048  }
0xb3: {  	_ =	swait.ge [sflag:s29], $0x1  }
0xb4: {  	[sflag:s29] =	ssyncadd.s32 $0xFFFFFFFF  }
0xb5: {  	_ =	strace $0x90000048  }
0xb6: {  	_ =	sfence  }
0xb7: {  	s30 =	sld [smem:$0x0];
	_ =	sdelay $0x2  }
0xb8: {  	s31 =	sshll.u32 s1, $0xD;
	s1 =	sshrl.u32 s1, $0x2  }
0xb9: {  	s3 =	sand.u32 $0x4000, s31;
	s1 =	sadd.s32 s1, s30  }
0xba: {  	s0 =	sor.u32 s3, s0;
	s1 =	sshll.u32 s1, $0x11  }
0xbb: {  	s0 =	sor.u32 s1, s0  }
0xbc: {  	s0 =	sadd.s32 $0x8F2B, s0  }
0xbd: {  	[sflag:s0] =	ssyncadd.remote.s32 $0x1  }
0xbe: {  	_ =	sfence.sel $0xFFFF  }
0xbf: {  	[dreg:$0x0] =	wrdreg $0xFFFFFFFF;
	(pc) =	sbr.abs _section_cstart, $3  }
0xc0: {  	[dreg:$0x1] =	wrdreg $0xFFFFFFFF  }
0xc1: {  	_ =	task.clear_ibuf [dreg:s7], $0x2FFFF;
	_ =	strace $0x9FFFFFFF  }
0xc2: {  	(tm) =	ssettm $0x7FFFFFFF  }
0xc3: {  	_ =	shalt  }
tec
execute0_lowered:
.L_overlay_start_1:
0x0: {  	(tag) =	ssettag $0x1  }
0x1: {  	s1 =	srdreg.scid  }
0x2: {  	s0 =	stileid.u32;
	s31 =	sand.u32 $0x1, s1  }
0x3: {  	s26 =	sshll.u32 s0, $0xB;
	s2 =	sshll.u32 s31, $0xA  }
0x4: {  	s5 =	rddreg [dreg:$0x0];
	s13 =	sor.u32 s2, s26  }
0x5: {  	s12 =	rddreg [dreg:$0x1];
	s2 =	simm.s32 $0x0;
	s3 =	sshrl.u32 s13, $0x3  }
0x6: {  	[smem:$0x7FF] =	sst s2;
	s3 =	sadd.s32 s3, s5  }
0x7: {  	s4 =	simm.s32 $0x7;
	_ =	strace $0x80000047;
	s3 =	sadd.s32 $0x200, s3  }
0x8: {  	[tilespmem:s2], [sflag:$0x7] =	stream.linear.gather [hbm4b:s3+s2], $0x400, $0x38;
	[tilespmem:$0xC400] =	vst v63  }
0x9: {  	_ =	swait.ge [sflag:s4], $0x400  }
0xa: {  	s6 =	simm.s32 $0x80;
	[sflag:s4] =	ssyncset.done $0x0  }
0xb: {  	s7 =	simm.s32 $0x400;
	s5 =	sadd.s32 $0x1200, s5;
	[sflag:s4] =	ssyncadd.s32 $0xFFFFFC00  }
0xc: {  	[tilespmem:s7], [sflag:$0x1] =	stream.indirect.gather [hbm4b:s5+s6], $0x80, s2, s6, $0xb8;
	[tilespmem:$0xC400] =	vst v63  }
0xd: {  	s8 =	simm.s32 $0x4400  }
0xe: {  	[tilespmem:s8], [sflag:$0x2] =	stream.indirect.gather [hbm4b:s5+s6], $0x80, s6, s6, $0xb8;
	[tilespmem:$0xC400] =	vst v63  }
0xf: {  	s9 =	simm.s32 $0x100;
	s10 =	simm.s32 $0x8400;
	s11 =	simm.s32 $0x1  }
0x10: {  	[tilespmem:s10], [sflag:$0x3] =	stream.indirect.gather [hbm4b:s5+s6], $0x80, s9, s6, $0xb8;
	[tilespmem:$0xC400] =	vst v63  }
0x11: {  	_ =	swait.ge [sflag:s11], $0x4000  }
0x12: {  	s13 =	sshll.u32 s13, $0x4;
	[sflag:s11] =	ssyncset.done $0x0  }
0x13: {  	s12 =	sadd.s32 s12, s13;
	s13 =	simm.s32 $0x4;
	[sflag:s11] =	ssyncadd.s32 $0xFFFFC000  }
0x14: {  	[hbm4b:s12+s2] =	stream.linear.scatter [tilespmem:s7], [sflag:$0x4], $0x4000, $0x38;
	[tilespmem:$0xC400] =	vst v63  }
0x15: {  	_ =	swait.ge [sflag:s13], $0x4000  }
0x16: {  	[sflag:s13] =	ssyncset.done $0x0  }
0x17: {  	s14 =	simm.s32 $0x180;
	s15 =	simm.s32 $0x2;
	[sflag:s13] =	ssyncadd.s32 $0xFFFFC000  }
0x18: {  	[tilespmem:s7], [sflag:$0x1] =	stream.indirect.gather [hbm4b:s5+s6], $0x80, s14, s6, $0xb8;
	[tilespmem:$0xC400] =	vst v63  }
0x19: {  	_ =	swait.ge [sflag:s15], $0x4000  }
0x1a: {  	[sflag:s15] =	ssyncset.done $0x0  }
0x1b: {  	s16 =	simm.s32 $0x5;
	s17 =	sadd.s32 $0x800, s12;
	[sflag:s15] =	ssyncadd.s32 $0xFFFFC000  }
0x1c: {  	[hbm4b:s17+s2] =	stream.linear.scatter [tilespmem:s8], [sflag:$0x5], $0x4000, $0x38;
	[tilespmem:$0xC400] =	vst v63  }
0x1d: {  	_ =	swait.ge [sflag:s16], $0x4000  }
0x1e: {  	[sflag:s16] =	ssyncset.done $0x0  }
0x1f: {  	s18 =	simm.s32 $0x200;
	s19 =	simm.s32 $0x3;
	[sflag:s16] =	ssyncadd.s32 $0xFFFFC000  }
0x20: {  	[tilespmem:s8], [sflag:$0x2] =	stream.indirect.gather [hbm4b:s5+s6], $0x80, s18, s6, $0xb8;
	[tilespmem:$0xC400] =	vst v63  }
0x21: {  	_ =	swait.ge [sflag:s19], $0x4000  }
0x22: {  	[sflag:s19] =	ssyncset.done $0x0  }
0x23: {  	s21 =	simm.s32 $0x6;
	s20 =	sadd.s32 $0x1000, s12;
	[sflag:s19] =	ssyncadd.s32 $0xFFFFC000  }
0x24: {  	[hbm4b:s20+s2] =	stream.linear.scatter [tilespmem:s10], [sflag:$0x6], $0x4000, $0x38;
	[tilespmem:$0xC400] =	vst v63  }
0x25: {  	_ =	swait.ge [sflag:s21], $0x4000  }
0x26: {  	[sflag:s21] =	ssyncset.done $0x0  }
0x27: {  	s22 =	simm.s32 $0x280;
	[sflag:s21] =	ssyncadd.s32 $0xFFFFC000  }
0x28: {  	[tilespmem:s10], [sflag:$0x3] =	stream.indirect.gather [hbm4b:s5+s6], $0x80, s22, s6, $0xb8;
	[tilespmem:$0xC400] =	vst v63  }
0x29: {  	_ =	swait.ge [sflag:s11], $0x4000  }
0x2a: {  	[sflag:s11] =	ssyncset.done $0x0  }
0x2b: {  	s23 =	sadd.s32 $0x1800, s12;
	[sflag:s11] =	ssyncadd.s32 $0xFFFFC000  }
0x2c: {  	[hbm4b:s23+s2] =	stream.linear.scatter [tilespmem:s7], [sflag:$0x4], $0x4000, $0x38;
	[tilespmem:$0xC400] =	vst v63  }
0x2d: {  	_ =	swait.ge [sflag:s13], $0x4000  }
0x2e: {  	[sflag:s13] =	ssyncset.done $0x0  }
0x2f: {  	s24 =	simm.s32 $0x300;
	[sflag:s13] =	ssyncadd.s32 $0xFFFFC000  }
0x30: {  	[tilespmem:s7], [sflag:$0x1] =	stream.indirect.gather [hbm4b:s5+s6], $0x80, s24, s6, $0xb8;
	[tilespmem:$0xC400] =	vst v63  }
0x31: {  	_ =	swait.ge [sflag:s15], $0x4000  }
0x32: {  	[sflag:s15] =	ssyncset.done $0x0  }
0x33: {  	s25 =	sadd.s32 $0x2000, s12;
	[sflag:s15] =	ssyncadd.s32 $0xFFFFC000  }
0x34: {  	[hbm4b:s25+s2] =	stream.linear.scatter [tilespmem:s8], [sflag:$0x5], $0x4000, $0x38;
	[tilespmem:$0xC400] =	vst v63  }
0x35: {  	_ =	swait.ge [sflag:s16], $0x4000  }
0x36: {  	[sflag:s16] =	ssyncset.done $0x0  }
0x37: {  	s26 =	simm.s32 $0x380;
	[sflag:s16] =	ssyncadd.s32 $0xFFFFC000  }
0x38: {  	[tilespmem:s8], [sflag:$0x2] =	stream.indirect.gather [hbm4b:s5+s6], $0x80, s26, s6, $0xb8;
	[tilespmem:$0xC400] =	vst v63  }
0x39: {  	_ =	swait.ge [sflag:s19], $0x4000  }
0x3a: {  	[sflag:s19] =	ssyncset.done $0x0  }
0x3b: {  	s28 =	sadd.s32 $0x2800, s12;
	[sflag:s19] =	ssyncadd.s32 $0xFFFFC000  }
0x3c: {  	[hbm4b:s28+s2] =	stream.linear.scatter [tilespmem:s10], [sflag:$0x6], $0x4000, $0x38;
	[tilespmem:$0xC400] =	vst v63  }
0x3d: {  	_ =	swait.ge [sflag:s11], $0x4000  }
0x3e: {  	[sflag:s11] =	ssyncset.done $0x0  }
0x3f: {  	s29 =	sadd.s32 $0x3000, s12;
	[sflag:s11] =	ssyncadd.s32 $0xFFFFC000  }
0x40: {  	[hbm4b:s29+s2] =	stream.linear.scatter [tilespmem:s7], [sflag:$0x4], $0x4000, $0x38;
	[tilespmem:$0xC400] =	vst v63  }
0x41: {  	_ =	swait.ge [sflag:s15], $0x4000  }
0x42: {  	s31 =	ssub.s32 $0x2, s31;
	[sflag:s15] =	ssyncset.done $0x0  }
0x43: {  	s1 =	sshrl.u32 s31, $0x1;
	s30 =	sadd.s32 $0x3800, s12;
	[sflag:s15] =	ssyncadd.s32 $0xFFFFC000  }
0x44: {  	[hbm4b:s30+s2] =	stream.linear.scatter [tilespmem:s8], [sflag:$0x5], $0x4000, $0x38;
	[tilespmem:$0xC400] =	vst v63  }
0x45: {  	s1 =	ssub.s32 s31, s1;
	_ =	swait.ge [sflag:s21], $0x4000  }
0x46: {  	s1 =	smax.u32 s1, $0x1;
	[sflag:s21] =	ssyncset.done $0x0  }
0x47: {  	p0 =	sne.s32 s1, $0x1;
	[sflag:s21] =	ssyncadd.s32 $0xFFFFC000  }
.Ltmp0:
0x48: {  	_ =	swait.ge [sflag:s13], $0x4000;
	(pc) =	sbr.rel @!p0 .LBB2_2-.Ltmp0, $4  }
0x49: {  	[sflag:s13] =	ssyncset.done $0x0  }
0x4a: {  	[sflag:s13] =	ssyncadd.s32 $0xFFFFC000  }
0x4b: {  	_ =	swait.ge [sflag:s16], $0x4000  }
0x4c: {  	s31 =	sadd.s32 $0xFFFFFFFF, s1;
	[sflag:s16] =	ssyncset.done $0x0  }
.LBB2_1:
0x4d: {  	p0 =	sne.s32 s31, $0x1;
	s31 =	sadd.s32 $0xFFFFFFFF, s31;
	[sflag:s16] =	ssyncadd.s32 $0xFFFFC000  }
0x4e: {  	[tilespmem:s2], [sflag:$0x7] =	stream.linear.gather [hbm4b:s3+s2], $0x400, $0x38;
	[tilespmem:$0xC400] =	vst v63  }
0x4f: {  	_ =	swait.ge [sflag:s4], $0x400  }
0x50: {  	[sflag:s4] =	ssyncset.done $0x0  }
0x51: {  	[sflag:s4] =	ssyncadd.s32 $0xFFFFFC00  }
0x52: {  	[tilespmem:s7], [sflag:$0x1] =	stream.indirect.gather [hbm4b:s5+s6], $0x80, s2, s6, $0xb8;
	[tilespmem:$0xC400] =	vst v63  }
0x53: {  	_ = 	snop  }
0x54: {  	[tilespmem:s8], [sflag:$0x2] =	stream.indirect.gather [hbm4b:s5+s6], $0x80, s6, s6, $0xb8;
	[tilespmem:$0xC400] =	vst v63  }
0x55: {  	_ = 	snop  }
0x56: {  	[tilespmem:s10], [sflag:$0x3] =	stream.indirect.gather [hbm4b:s5+s6], $0x80, s9, s6, $0xb8;
	[tilespmem:$0xC400] =	vst v63  }
0x57: {  	_ =	swait.ge [sflag:s11], $0x4000  }
0x58: {  	[sflag:s11] =	ssyncset.done $0x0  }
0x59: {  	[sflag:s11] =	ssyncadd.s32 $0xFFFFC000  }
0x5a: {  	[hbm4b:s12+s2] =	stream.linear.scatter [tilespmem:s7], [sflag:$0x4], $0x4000, $0x38;
	[tilespmem:$0xC400] =	vst v63  }
0x5b: {  	_ =	swait.ge [sflag:s13], $0x4000  }
0x5c: {  	[sflag:s13] =	ssyncset.done $0x0  }
0x5d: {  	[sflag:s13] =	ssyncadd.s32 $0xFFFFC000  }
0x5e: {  	[tilespmem:s7], [sflag:$0x1] =	stream.indirect.gather [hbm4b:s5+s6], $0x80, s14, s6, $0xb8;
	[tilespmem:$0xC400] =	vst v63  }
0x5f: {  	_ =	swait.ge [sflag:s15], $0x4000  }
0x60: {  	[sflag:s15] =	ssyncset.done $0x0  }
0x61: {  	[sflag:s15] =	ssyncadd.s32 $0xFFFFC000  }
0x62: {  	[hbm4b:s17+s2] =	stream.linear.scatter [tilespmem:s8], [sflag:$0x5], $0x4000, $0x38;
	[tilespmem:$0xC400] =	vst v63  }
0x63: {  	_ =	swait.ge [sflag:s16], $0x4000  }
0x64: {  	[sflag:s16] =	ssyncset.done $0x0  }
0x65: {  	[sflag:s16] =	ssyncadd.s32 $0xFFFFC000  }
0x66: {  	[tilespmem:s8], [sflag:$0x2] =	stream.indirect.gather [hbm4b:s5+s6], $0x80, s18, s6, $0xb8;
	[tilespmem:$0xC400] =	vst v63  }
0x67: {  	_ =	swait.ge [sflag:s19], $0x4000  }
0x68: {  	[sflag:s19] =	ssyncset.done $0x0  }
0x69: {  	[sflag:s19] =	ssyncadd.s32 $0xFFFFC000  }
0x6a: {  	[hbm4b:s20+s2] =	stream.linear.scatter [tilespmem:s10], [sflag:$0x6], $0x4000, $0x38;
	[tilespmem:$0xC400] =	vst v63  }
0x6b: {  	_ =	swait.ge [sflag:s21], $0x4000  }
0x6c: {  	[sflag:s21] =	ssyncset.done $0x0  }
0x6d: {  	[sflag:s21] =	ssyncadd.s32 $0xFFFFC000  }
0x6e: {  	[tilespmem:s10], [sflag:$0x3] =	stream.indirect.gather [hbm4b:s5+s6], $0x80, s22, s6, $0xb8;
	[tilespmem:$0xC400] =	vst v63  }
0x6f: {  	_ =	swait.ge [sflag:s11], $0x4000  }
0x70: {  	[sflag:s11] =	ssyncset.done $0x0  }
0x71: {  	[sflag:s11] =	ssyncadd.s32 $0xFFFFC000  }
0x72: {  	[hbm4b:s23+s2] =	stream.linear.scatter [tilespmem:s7], [sflag:$0x4], $0x4000, $0x38;
	[tilespmem:$0xC400] =	vst v63  }
0x73: {  	_ =	swait.ge [sflag:s13], $0x4000  }
0x74: {  	[sflag:s13] =	ssyncset.done $0x0  }
0x75: {  	[sflag:s13] =	ssyncadd.s32 $0xFFFFC000  }
0x76: {  	[tilespmem:s7], [sflag:$0x1] =	stream.indirect.gather [hbm4b:s5+s6], $0x80, s24, s6, $0xb8;
	[tilespmem:$0xC400] =	vst v63  }
0x77: {  	_ =	swait.ge [sflag:s15], $0x4000  }
0x78: {  	[sflag:s15] =	ssyncset.done $0x0  }
0x79: {  	[sflag:s15] =	ssyncadd.s32 $0xFFFFC000  }
0x7a: {  	[hbm4b:s25+s2] =	stream.linear.scatter [tilespmem:s8], [sflag:$0x5], $0x4000, $0x38;
	[tilespmem:$0xC400] =	vst v63  }
0x7b: {  	_ =	swait.ge [sflag:s16], $0x4000  }
0x7c: {  	[sflag:s16] =	ssyncset.done $0x0  }
0x7d: {  	[sflag:s16] =	ssyncadd.s32 $0xFFFFC000  }
0x7e: {  	[tilespmem:s8], [sflag:$0x2] =	stream.indirect.gather [hbm4b:s5+s6], $0x80, s26, s6, $0xb8;
	[tilespmem:$0xC400] =	vst v63  }
0x7f: {  	_ =	swait.ge [sflag:s19], $0x4000  }
0x80: {  	[sflag:s19] =	ssyncset.done $0x0  }
0x81: {  	[sflag:s19] =	ssyncadd.s32 $0xFFFFC000  }
0x82: {  	[hbm4b:s28+s2] =	stream.linear.scatter [tilespmem:s10], [sflag:$0x6], $0x4000, $0x38;
	[tilespmem:$0xC400] =	vst v63  }
0x83: {  	_ =	swait.ge [sflag:s11], $0x4000  }
0x84: {  	[sflag:s11] =	ssyncset.done $0x0  }
0x85: {  	[sflag:s11] =	ssyncadd.s32 $0xFFFFC000  }
0x86: {  	[hbm4b:s29+s2] =	stream.linear.scatter [tilespmem:s7], [sflag:$0x4], $0x4000, $0x38;
	[tilespmem:$0xC400] =	vst v63  }
0x87: {  	_ =	swait.ge [sflag:s15], $0x4000  }
0x88: {  	[sflag:s15] =	ssyncset.done $0x0  }
0x89: {  	[sflag:s15] =	ssyncadd.s32 $0xFFFFC000  }
0x8a: {  	[hbm4b:s30+s2] =	stream.linear.scatter [tilespmem:s8], [sflag:$0x5], $0x4000, $0x38;
	[tilespmem:$0xC400] =	vst v63  }
0x8b: {  	_ =	swait.ge [sflag:s21], $0x4000  }
0x8c: {  	[sflag:s21] =	ssyncset.done $0x0  }
0x8d: {  	[sflag:s21] =	ssyncadd.s32 $0xFFFFC000  }
.Ltmp1:
0x8e: {  	_ =	swait.ge [sflag:s13], $0x4000;
	(pc) =	sbr.rel @p0 .LBB2_1-.Ltmp1, $4  }
0x8f: {  	[sflag:s13] =	ssyncset.done $0x0  }
0x90: {  	[sflag:s13] =	ssyncadd.s32 $0xFFFFC000  }
0x91: {  	_ =	swait.ge [sflag:s16], $0x4000  }
0x92: {  	[sflag:s16] =	ssyncset.done $0x0  }
.LBB2_2:
0x93: {  	[sflag:s16] =	ssyncadd.s32 $0xFFFFC000  }
0x94: {  	_ =	sfence.sel $0x180000  }
0x95: {  	[bflag:$0x0] =	sbarrier.arrive $0xFFFF  }
0x96: {  	_ =	strace $0x90000047  }
0x97: {  	[bflag:$0x2] =	sbarrier.arrive $0xFFFF  }
0x98: {  	p0 =	sne.s32 s0, $0x0;
	s0 =	rddreg [dreg:$0x2]  }
0x99: {  	s0 =	sadd.s32 @!p0 $0x100000, s0  }
0x9a: {  	[sflag:s0] =	ssyncadd.tile.s32 @!p0 $0x1;
	_ =	shalt  }
.Lfunc_end2:
_tile_overlayer_lowered:
.L_overlay_start_2:
0x9b: {  	(tag) =	ssettag $0x2  }
0x9c: {  	s0 =	rddreg [dreg:$0x0];
	s2 =	stileid.u32  }
0x9d: {  	s1 =	rddreg [dreg:$0x1];
	p0 =	sne.s32 s2, $0x0  }
0x9e: {  	s3 =	rddreg [dreg:$0x2];
	[bflag:$0x3] =	sbarrier.arrive $0xFFFF;
	s2 =	simm.s32 @!p0 $0x1C07  }
0x9f: {  	[timem:s3], [sflag:s2] =	dma.local @!p0 [hbm:s0], s1  }
0xa0: {  	s0 =	simm.s32 @!p0 $0x7  }
0xa1: {  	_ =	swait.ge @!p0 [sflag:s0], s1  }
0xa2: {  	s1 =	ssub.s32 @!p0 $0x0, s1;
	[sflag:s0] =	ssyncset.done @!p0 $0x0  }
0xa3: {  	[sflag:s0] =	ssyncadd.s32 @!p0 s1  }
0xa4: {  	[bflag:$0x3] =	sbarrier.arrive $0xFFFF  }
0xa5: {  	_ =	shalt  }

</sc_bundles>
